<compile_context>
chip_gen: v7x
topology: tpu7x:2x2x1
jax: 0.10.2.dev20260603
libtpu: 0.0.44.dev20260713+nightly
codegen_flags: <defaults>
</compile_context>

<pallas_src>
import functools

import jax
import jax.numpy as jnp
from jax import lax
from jax.experimental import pallas as pl
from jax.experimental.pallas import tpu as pltpu
from jax.experimental.pallas import tpu_sc as plsc

B, L, ED, H, NCLS = 4096, 50, 64, 256, 100
BV, CV, PV, SV = 1000, 1000, 100000, 1000


_NW = 32
_ROWS = L * B * 2
_PER_W = _ROWS // _NW
_GCH = 128
_KK = 4
_CH = _GCH * _KK
_NCHUNK = _PER_W // _CH


def _sc_gather(table_hbm, idxa_hbm, idxb_hbm, out_hbm, idxa_v, idxb_v, rows_v,
               sem):
    wid = lax.axis_index("s") * 2 + lax.axis_index("c")
    base = wid * _PER_W

    def chunk(k, _):
        off = base + k * _CH
        pltpu.sync_copy(idxa_hbm.at[pl.ds(off, _CH)], idxa_v)
        pltpu.sync_copy(idxb_hbm.at[pl.ds(off, _CH)], idxb_v)
        copies = [
            pltpu.async_copy(
                table_hbm.at[idxa_v.at[pl.ds(j * _GCH, _GCH)]],
                rows_v.at[pl.ds(j * _GCH, _GCH)],
                sem,
            )
            for j in range(_KK)
        ]
        for cpy in copies:
            cpy.wait()
        copies = [
            pltpu.async_copy(
                table_hbm.at[idxb_v.at[pl.ds(j * _GCH, _GCH)]],
                rows_v.at[pl.ds(j * _GCH, _GCH)],
                sem,
                add=True,
            )
            for j in range(_KK)
        ]
        for cpy in copies:
            cpy.wait()
        pltpu.sync_copy(rows_v, out_hbm.at[pl.ds(off, _CH)])
        return ()

    lax.fori_loop(0, _NCHUNK, chunk, (), unroll=False)


@functools.cache
def _gather_call():
    return pl.kernel(
        _sc_gather,
        out_type=jax.ShapeDtypeStruct((_ROWS, 2 * ED), jnp.float32),
        mesh=plsc.VectorSubcoreMesh(core_axis_name="c", subcore_axis_name="s"),
        scratch_types=[
            pltpu.VMEM((_CH,), jnp.int32),
            pltpu.VMEM((_CH,), jnp.int32),
            pltpu.VMEM((_CH, 2 * ED), jnp.float32),
            pltpu.SemaphoreType.DMA,
        ],
    )


_BB = 2048


def _sigm(x):
    return 0.5 * jnp.tanh(0.5 * x) + 0.5


def _lstm_body(emb_ref, q_ref, wx_ref, wh_ref, bias_ref, u_ref,
               w1_ref, b1_ref, w2_ref, b2_ref, out_ref, h_scr, c_scr, gx_scr):
    t = pl.program_id(1)
    first = t == 0

    gx = gx_scr[...]
    h = h_scr[...]
    gates = gx + jnp.dot(h, wh_ref[...], preferred_element_type=jnp.float32)
    i_g = _sigm(gates[:, 0:H])
    f_g = _sigm(gates[:, H:2 * H])
    g_g = jnp.tanh(gates[:, 2 * H:3 * H])
    o_g = _sigm(gates[:, 3 * H:4 * H])
    c_new = f_g * c_scr[...] + i_g * g_g
    h_new = o_g * jnp.tanh(c_new)
    h_scr[...] = jnp.where(first, 0.0, h_new)
    c_scr[...] = jnp.where(first, 0.0, c_new)

    x = emb_ref[0]
    q = q_ref[0]
    gx_scr[...] = (
        jnp.dot(x, wx_ref[...], preferred_element_type=jnp.float32)
        + q * u_ref[...] + bias_ref[...]
    )

    @pl.when(t == L)
    def _head():
        hT = h_scr[...]
        hid = jnp.maximum(
            jnp.dot(hT, w1_ref[...], preferred_element_type=jnp.float32)
            + b1_ref[...], 0.0)
        out_ref[...] = (
            jnp.dot(hid, w2_ref[...], preferred_element_type=jnp.float32)
            + b2_ref[...])


def _clamp_t(t):
    return jnp.minimum(t, L - 1)


_lstm_call = pl.pallas_call(
    _lstm_body,
    grid=(B // _BB, L + 1),
    in_specs=[
        pl.BlockSpec((1, _BB, 4 * ED), lambda i, t: (_clamp_t(t), i, 0)),
        pl.BlockSpec((1, _BB, 1), lambda i, t: (_clamp_t(t), i, 0)),
        pl.BlockSpec((4 * ED, 4 * H), lambda i, t: (0, 0)),
        pl.BlockSpec((H, 4 * H), lambda i, t: (0, 0)),
        pl.BlockSpec((1, 4 * H), lambda i, t: (0, 0)),
        pl.BlockSpec((1, 4 * H), lambda i, t: (0, 0)),
        pl.BlockSpec((H, H), lambda i, t: (0, 0)),
        pl.BlockSpec((1, H), lambda i, t: (0, 0)),
        pl.BlockSpec((H, NCLS), lambda i, t: (0, 0)),
        pl.BlockSpec((1, NCLS), lambda i, t: (0, 0)),
    ],
    out_specs=pl.BlockSpec((_BB, NCLS), lambda i, t: (i, 0)),
    out_shape=jax.ShapeDtypeStruct((B, NCLS), jnp.float32),
    scratch_shapes=[
        pltpu.VMEM((_BB, H), jnp.float32),
        pltpu.VMEM((_BB, H), jnp.float32),
        pltpu.VMEM((_BB, 4 * H), jnp.float32),
    ],
    compiler_params=pltpu.CompilerParams(
        dimension_semantics=("arbitrary", "arbitrary"),
    ),
)


def kernel(behavior_ids, category_ids, product_service_ids, source_service_ids,
           quantity_values, sequence_length, behavior_table, category_table,
           product_table, source_table, qW, qb, W_ih, W_hh, b_ih, b_hh,
           cW1, cb1, cW2, cb2):
    del sequence_length

    left = jnp.concatenate([behavior_table, product_table], axis=0)
    right = jnp.concatenate([category_table, source_table], axis=0)
    z_l = jnp.zeros_like(left)
    z_r = jnp.zeros_like(right)
    table = jnp.concatenate([
        jnp.concatenate([left, z_l], axis=1),
        jnp.concatenate([z_r, right], axis=1),
    ], axis=0)
    idxa = jnp.stack(
        [behavior_ids.T.astype(jnp.int32),
         product_service_ids.T.astype(jnp.int32) + BV],
        axis=-1).reshape(_ROWS)
    idxb = jnp.stack(
        [category_ids.T.astype(jnp.int32) + (BV + PV),
         source_service_ids.T.astype(jnp.int32) + (BV + PV + CV)],
        axis=-1).reshape(_ROWS)

    emb = _gather_call()(table, idxa, idxb).reshape(L, B, 4 * ED)

    wq = W_ih[:, 4 * ED:]
    u = (wq @ qW[:, 0]).reshape(1, 4 * H)
    bias = (b_ih + b_hh + wq @ qb).reshape(1, 4 * H)
    q_t = quantity_values.T.reshape(L, B, 1)

    out = _lstm_call(
        emb, q_t,
        W_ih[:, :4 * ED].T, W_hh.T, bias, u,
        cW1.T, cb1.reshape(1, H), cW2.T, cb2.reshape(1, NCLS),
    )
    return out

# --- scband reference (transcript-rebuilt; emitter-appended) ---
"""Pipeline reference for scband-sequence-behavior-model-7962869367220 (READ-ONLY COPY).

The authoritative reference and input builder live on the scoring server;
editing this copy changes nothing except your own understanding.
"""

import jax, jax.numpy as jnp
import numpy as np

B, L, ED, H, NC = 4096, 50, 64, 256, 100
BV, CV, PV, SV = 1000, 1000, 100000, 1000
IN = ED * 4 + 4

def setup_inputs(seed: int = 0):
    key = jax.random.key(seed)
    ks = jax.random.split(key, 20)
    inp = {}
    inp['behavior_ids'] = jax.random.randint(ks[0], (B, L), 0, BV)
    inp['category_ids'] = jax.random.randint(ks[1], (B, L), 0, CV)
    inp['product_service_ids'] = jax.random.randint(ks[2], (B, L), 0, PV)
    inp['source_service_ids'] = jax.random.randint(ks[3], (B, L), 0, SV)
    inp['quantity_values'] = jax.random.uniform(ks[4], (B, L), dtype=jnp.float32)
    inp['sequence_length'] = jax.random.randint(ks[5], (B,), 1, L + 1)
    bt = jax.random.normal(ks[6], (BV, ED), dtype=jnp.float32); inp['behavior_table'] = bt.at[0].set(0.0)
    ct = jax.random.normal(ks[7], (CV, ED), dtype=jnp.float32); inp['category_table'] = ct.at[0].set(0.0)
    pt = jax.random.normal(ks[8], (PV, ED), dtype=jnp.float32); inp['product_table'] = pt.at[0].set(0.0)
    st = jax.random.normal(ks[9], (SV, ED), dtype=jnp.float32); inp['source_table'] = st.at[0].set(0.0)
    inp['qW'] = jax.random.normal(ks[10], (4, 1), dtype=jnp.float32) * 0.5
    inp['qb'] = jnp.zeros((4,), dtype=jnp.float32)
    inp['W_ih'] = jax.random.normal(ks[11], (4 * H, IN), dtype=jnp.float32) * 0.05
    inp['W_hh'] = jax.random.normal(ks[12], (4 * H, H), dtype=jnp.float32) * 0.05
    inp['b_ih'] = jnp.zeros((4 * H,), dtype=jnp.float32)
    inp['b_hh'] = jnp.zeros((4 * H,), dtype=jnp.float32)
    inp['cW1'] = jax.random.normal(ks[13], (H, H), dtype=jnp.float32) * 0.05
    inp['cb1'] = jnp.zeros((H,), dtype=jnp.float32)
    inp['cW2'] = jax.random.normal(ks[14], (NC, H), dtype=jnp.float32) * 0.05
    inp['cb2'] = jnp.zeros((NC,), dtype=jnp.float32)
    return inp

def reference(behavior_ids, category_ids, product_service_ids, source_service_ids, quantity_values, sequence_length, behavior_table, category_table, product_table, source_table, qW, qb, W_ih, W_hh, b_ih, b_hh, cW1, cb1, cW2, cb2):
    be = jnp.take(behavior_table, behavior_ids, axis=0)
    ce = jnp.take(category_table, category_ids, axis=0)
    pe = jnp.take(product_table, product_service_ids, axis=0)
    se = jnp.take(source_table, source_service_ids, axis=0)
    qe = quantity_values[..., None] @ qW.T + qb
    feats = jnp.concatenate([be, ce, pe, se, qe], axis=-1)  # [B, L, IN]
    xs = jnp.transpose(feats, (1, 0, 2))  # [L, B, IN]
    bsz = feats.shape[0]
    h0 = jnp.zeros((bsz, H), dtype=feats.dtype)
    c0 = jnp.zeros((bsz, H), dtype=feats.dtype)
    def step(carry, x_t):
        h, c = carry
        gates = x_t @ W_ih.T + b_ih + h @ W_hh.T + b_hh
        i, f, g, o = jnp.split(gates, 4, axis=-1)
        i = jax.nn.sigmoid(i); f = jax.nn.sigmoid(f); g = jnp.tanh(g); o = jax.nn.sigmoid(o)
        c_new = f * c + i * g
        h_new = o * jnp.tanh(c_new)
        return (h_new, c_new), h_new
    (hT, cT), _ = jax.lax.scan(step, (h0, c0), xs)
    hid = jnp.maximum(hT @ cW1.T + cb1, 0.0)
    return hid @ cW2.T + cb2

if __name__ == "__main__":
    import jax
    _d = setup_inputs()
    print(jax.jit(kernel)(*tuple(_d.values())))

</pallas_src>

<mosaic_0001>
#map = affine_map<(d0, d1) -> (0, 0)>
#map1 = affine_map<(d0, d1) -> (0)>
module attributes {stable_mosaic.version = 14 : i64} {
  func.func @_sc_gather(%arg0: i32, %arg1: i32, %arg2: memref<103000x128xf32, #tpu.memory_space<hbm>>, %arg3: memref<409600xi32, #tpu.memory_space<hbm>>, %arg4: memref<409600xi32, #tpu.memory_space<hbm>>, %arg5: memref<409600x128xf32, #tpu.memory_space<hbm>>, %arg6: memref<512xi32, #tpu.memory_space<vmem>>, %arg7: memref<512xi32, #tpu.memory_space<vmem>>, %arg8: memref<512x128xf32, #tpu.memory_space<vmem>>, %arg9: memref<!tpu.dma_semaphore, #tpu.memory_space<semaphore_mem>>) attributes {dimension_semantics = [#tpu.dimension_semantics<core_parallel>, #tpu.dimension_semantics<subcore_parallel>], iteration_bounds = array<i64: 2, 16>, scalar_prefetch = 0 : i64, scratch_operands = 4 : i64, tpu.core_type = #tpu.core_type<sc_vector_subcore>, window_params = [{transform_indices = #map}, {transform_indices = #map1}, {transform_indices = #map1}, {transform_indices = #map}]} {
    %mul3A = arith.constant 2 : i32
    %mul3A_0 = arith.muli %arg1, %mul3A : i32
    %add3A = arith.addi %mul3A_0, %arg0 : i32
    %mul3A_1 = arith.constant 12800 : i32
    %mul3A_2 = arith.muli %add3A, %mul3A_1 : i32
    %scan3A = arith.constant 0 : i32
    %scan3A_3 = arith.constant 25 : i32
    %scan3A_4 = arith.addi %scan3A, %scan3A_3 : i32
    %scan3A_5 = arith.constant 1 : i32
    scf.for %scan3A_7 = %scan3A to %scan3A_4 step %scan3A_5  : i32 {
      %mul3A_8 = arith.constant 512 : i32
      %mul3A_9 = arith.muli %scan3A_7, %mul3A_8 : i32
      %add3A_10 = arith.addi %mul3A_2, %mul3A_9 : i32
      "tpu.region"() ({
        %run_scoped3A = tpu.sem_alloc : memref<!tpu.dma_semaphore, #tpu.memory_space<semaphore_mem>>
        %dma_start3A_137 = tpu.memref_slice %arg3[%add3A_10] : memref<409600xi32, #tpu.memory_space<hbm>> -> memref<512xi32, #tpu.memory_space<hbm>>
        %dma_start3A_138 = tpu.memref_slice %arg3[%add3A_10] : memref<409600xi32, #tpu.memory_space<hbm>> -> memref<512xi32, #tpu.memory_space<hbm>>
        tpu.enqueue_dma source(%dma_start3A_138 : memref<512xi32, #tpu.memory_space<hbm>>) target(%arg6 : memref<512xi32, #tpu.memory_space<vmem>>) target_semaphore(%run_scoped3A : memref<!tpu.dma_semaphore, #tpu.memory_space<semaphore_mem>>)
        %dma_wait3A_139 = tpu.memref_slice %arg3[%add3A_10] : memref<409600xi32, #tpu.memory_space<hbm>> -> memref<512xi32, #tpu.memory_space<hbm>>
        %dma_wait3A_140 = tpu.memref_slice %arg3[%add3A_10] : memref<409600xi32, #tpu.memory_space<hbm>> -> memref<512xi32, #tpu.memory_space<hbm>>
        tpu.wait_dma2 semaphore(%run_scoped3A : memref<!tpu.dma_semaphore, #tpu.memory_space<semaphore_mem>>) src(%dma_wait3A_140 : memref<512xi32, #tpu.memory_space<hbm>>) dst(%arg6 : memref<512xi32, #tpu.memory_space<vmem>>)
        tpu.yield
      }) : () -> ()
      "tpu.region"() ({
        %run_scoped3A = tpu.sem_alloc : memref<!tpu.dma_semaphore, #tpu.memory_space<semaphore_mem>>
        %dma_start3A_137 = tpu.memref_slice %arg4[%add3A_10] : memref<409600xi32, #tpu.memory_space<hbm>> -> memref<512xi32, #tpu.memory_space<hbm>>
        %dma_start3A_138 = tpu.memref_slice %arg4[%add3A_10] : memref<409600xi32, #tpu.memory_space<hbm>> -> memref<512xi32, #tpu.memory_space<hbm>>
        tpu.enqueue_dma source(%dma_start3A_138 : memref<512xi32, #tpu.memory_space<hbm>>) target(%arg7 : memref<512xi32, #tpu.memory_space<vmem>>) target_semaphore(%run_scoped3A : memref<!tpu.dma_semaphore, #tpu.memory_space<semaphore_mem>>)
        %dma_wait3A_139 = tpu.memref_slice %arg4[%add3A_10] : memref<409600xi32, #tpu.memory_space<hbm>> -> memref<512xi32, #tpu.memory_space<hbm>>
        %dma_wait3A_140 = tpu.memref_slice %arg4[%add3A_10] : memref<409600xi32, #tpu.memory_space<hbm>> -> memref<512xi32, #tpu.memory_space<hbm>>
        tpu.wait_dma2 semaphore(%run_scoped3A : memref<!tpu.dma_semaphore, #tpu.memory_space<semaphore_mem>>) src(%dma_wait3A_140 : memref<512xi32, #tpu.memory_space<hbm>>) dst(%arg7 : memref<512xi32, #tpu.memory_space<vmem>>)
        tpu.yield
      }) : () -> ()
      %dma_start3A = arith.constant 0 : i32
      %dma_start3A_11 = arith.constant 0 : i32
      %dma_start3A_12 = tpu.memref_slice %arg8[%dma_start3A, %dma_start3A_11] : memref<512x128xf32, #tpu.memory_space<vmem>> -> memref<128x128xf32, #tpu.memory_space<vmem>>
      %dma_start3A_13 = arith.constant 0 : i32
      %dma_start3A_14 = tpu.memref_slice %arg6[%dma_start3A_13] : memref<512xi32, #tpu.memory_space<vmem>> -> memref<128xi32, #tpu.memory_space<vmem>>
      %dma_start3A_15 = arith.constant 0 : i32
      %dma_start3A_16 = arith.constant 0 : i32
      %dma_start3A_17 = tpu.memref_slice %arg2[%dma_start3A_15, %dma_start3A_16] : memref<103000x128xf32, #tpu.memory_space<hbm>> -> memref<103000x128xf32, #tpu.memory_space<hbm>>
      tpu.enqueue_indirect_dma source(%dma_start3A_17 : memref<103000x128xf32, #tpu.memory_space<hbm>>) target(%dma_start3A_12 : memref<128x128xf32, #tpu.memory_space<vmem>>) offsets(%dma_start3A_14 : memref<128xi32, #tpu.memory_space<vmem>>) semaphore(%arg9 : memref<!tpu.dma_semaphore, #tpu.memory_space<semaphore_mem>>)
      %dma_start3A_18 = arith.constant 128 : i32
      %dma_start3A_19 = arith.constant 0 : i32
      %dma_start3A_20 = tpu.memref_slice %arg8[%dma_start3A_18, %dma_start3A_19] : memref<512x128xf32, #tpu.memory_space<vmem>> -> memref<128x128xf32, #tpu.memory_space<vmem>>
      %dma_start3A_21 = arith.constant 128 : i32
      %dma_start3A_22 = tpu.memref_slice %arg6[%dma_start3A_21] : memref<512xi32, #tpu.memory_space<vmem>> -> memref<128xi32, #tpu.memory_space<vmem>>
      %dma_start3A_23 = arith.constant 0 : i32
      %dma_start3A_24 = arith.constant 0 : i32
      %dma_start3A_25 = tpu.memref_slice %arg2[%dma_start3A_23, %dma_start3A_24] : memref<103000x128xf32, #tpu.memory_space<hbm>> -> memref<103000x128xf32, #tpu.memory_space<hbm>>
      tpu.enqueue_indirect_dma source(%dma_start3A_25 : memref<103000x128xf32, #tpu.memory_space<hbm>>) target(%dma_start3A_20 : memref<128x128xf32, #tpu.memory_space<vmem>>) offsets(%dma_start3A_22 : memref<128xi32, #tpu.memory_space<vmem>>) semaphore(%arg9 : memref<!tpu.dma_semaphore, #tpu.memory_space<semaphore_mem>>)
      %dma_start3A_26 = arith.constant 256 : i32
      %dma_start3A_27 = arith.constant 0 : i32
      %dma_start3A_28 = tpu.memref_slice %arg8[%dma_start3A_26, %dma_start3A_27] : memref<512x128xf32, #tpu.memory_space<vmem>> -> memref<128x128xf32, #tpu.memory_space<vmem>>
      %dma_start3A_29 = arith.constant 256 : i32
      %dma_start3A_30 = tpu.memref_slice %arg6[%dma_start3A_29] : memref<512xi32, #tpu.memory_space<vmem>> -> memref<128xi32, #tpu.memory_space<vmem>>
      %dma_start3A_31 = arith.constant 0 : i32
      %dma_start3A_32 = arith.constant 0 : i32
      %dma_start3A_33 = tpu.memref_slice %arg2[%dma_start3A_31, %dma_start3A_32] : memref<103000x128xf32, #tpu.memory_space<hbm>> -> memref<103000x128xf32, #tpu.memory_space<hbm>>
      tpu.enqueue_indirect_dma source(%dma_start3A_33 : memref<103000x128xf32, #tpu.memory_space<hbm>>) target(%dma_start3A_28 : memref<128x128xf32, #tpu.memory_space<vmem>>) offsets(%dma_start3A_30 : memref<128xi32, #tpu.memory_space<vmem>>) semaphore(%arg9 : memref<!tpu.dma_semaphore, #tpu.memory_space<semaphore_mem>>)
      %dma_start3A_34 = arith.constant 384 : i32
      %dma_start3A_35 = arith.constant 0 : i32
      %dma_start3A_36 = tpu.memref_slice %arg8[%dma_start3A_34, %dma_start3A_35] : memref<512x128xf32, #tpu.memory_space<vmem>> -> memref<128x128xf32, #tpu.memory_space<vmem>>
      %dma_start3A_37 = arith.constant 384 : i32
      %dma_start3A_38 = tpu.memref_slice %arg6[%dma_start3A_37] : memref<512xi32, #tpu.memory_space<vmem>> -> memref<128xi32, #tpu.memory_space<vmem>>
      %dma_start3A_39 = arith.constant 0 : i32
      %dma_start3A_40 = arith.constant 0 : i32
      %dma_start3A_41 = tpu.memref_slice %arg2[%dma_start3A_39, %dma_start3A_40] : memref<103000x128xf32, #tpu.memory_space<hbm>> -> memref<103000x128xf32, #tpu.memory_space<hbm>>
      tpu.enqueue_indirect_dma source(%dma_start3A_41 : memref<103000x128xf32, #tpu.memory_space<hbm>>) target(%dma_start3A_36 : memref<128x128xf32, #tpu.memory_space<vmem>>) offsets(%dma_start3A_38 : memref<128xi32, #tpu.memory_space<vmem>>) semaphore(%arg9 : memref<!tpu.dma_semaphore, #tpu.memory_space<semaphore_mem>>)
      %dma_wait3A = arith.constant 0 : i32
      %dma_wait3A_42 = arith.constant 0 : i32
      %dma_wait3A_43 = tpu.memref_slice %arg8[%dma_wait3A, %dma_wait3A_42] : memref<512x128xf32, #tpu.memory_space<vmem>> -> memref<128x128xf32, #tpu.memory_space<vmem>>
      %dma_wait3A_44 = arith.constant 0 : i32
      %dma_wait3A_45 = tpu.memref_slice %arg6[%dma_wait3A_44] : memref<512xi32, #tpu.memory_space<vmem>> -> memref<128xi32, #tpu.memory_space<vmem>>
      %dma_wait3A_46 = arith.constant 0 : i32
      %dma_wait3A_47 = arith.constant 0 : i32
      %dma_wait3A_48 = tpu.memref_slice %arg2[%dma_wait3A_46, %dma_wait3A_47] : memref<103000x128xf32, #tpu.memory_space<hbm>> -> memref<103000x128xf32, #tpu.memory_space<hbm>>
      tpu.wait_indirect_dma semaphore(%arg9 : memref<!tpu.dma_semaphore, #tpu.memory_space<semaphore_mem>>) src(%dma_wait3A_48 : memref<103000x128xf32, #tpu.memory_space<hbm>>) dst(%dma_wait3A_43 : memref<128x128xf32, #tpu.memory_space<vmem>>)
      %dma_wait3A_49 = arith.constant 128 : i32
      %dma_wait3A_50 = arith.constant 0 : i32
      %dma_wait3A_51 = tpu.memref_slice %arg8[%dma_wait3A_49, %dma_wait3A_50] : memref<512x128xf32, #tpu.memory_space<vmem>> -> memref<128x128xf32, #tpu.memory_space<vmem>>
      %dma_wait3A_52 = arith.constant 128 : i32
      %dma_wait3A_53 = tpu.memref_slice %arg6[%dma_wait3A_52] : memref<512xi32, #tpu.memory_space<vmem>> -> memref<128xi32, #tpu.memory_space<vmem>>
      %dma_wait3A_54 = arith.constant 0 : i32
      %dma_wait3A_55 = arith.constant 0 : i32
      %dma_wait3A_56 = tpu.memref_slice %arg2[%dma_wait3A_54, %dma_wait3A_55] : memref<103000x128xf32, #tpu.memory_space<hbm>> -> memref<103000x128xf32, #tpu.memory_space<hbm>>
      tpu.wait_indirect_dma semaphore(%arg9 : memref<!tpu.dma_semaphore, #tpu.memory_space<semaphore_mem>>) src(%dma_wait3A_56 : memref<103000x128xf32, #tpu.memory_space<hbm>>) dst(%dma_wait3A_51 : memref<128x128xf32, #tpu.memory_space<vmem>>)
      %dma_wait3A_57 = arith.constant 256 : i32
      %dma_wait3A_58 = arith.constant 0 : i32
      %dma_wait3A_59 = tpu.memref_slice %arg8[%dma_wait3A_57, %dma_wait3A_58] : memref<512x128xf32, #tpu.memory_space<vmem>> -> memref<128x128xf32, #tpu.memory_space<vmem>>
      %dma_wait3A_60 = arith.constant 256 : i32
      %dma_wait3A_61 = tpu.memref_slice %arg6[%dma_wait3A_60] : memref<512xi32, #tpu.memory_space<vmem>> -> memref<128xi32, #tpu.memory_space<vmem>>
      %dma_wait3A_62 = arith.constant 0 : i32
      %dma_wait3A_63 = arith.constant 0 : i32
      %dma_wait3A_64 = tpu.memref_slice %arg2[%dma_wait3A_62, %dma_wait3A_63] : memref<103000x128xf32, #tpu.memory_space<hbm>> -> memref<103000x128xf32, #tpu.memory_space<hbm>>
      tpu.wait_indirect_dma semaphore(%arg9 : memref<!tpu.dma_semaphore, #tpu.memory_space<semaphore_mem>>) src(%dma_wait3A_64 : memref<103000x128xf32, #tpu.memory_space<hbm>>) dst(%dma_wait3A_59 : memref<128x128xf32, #tpu.memory_space<vmem>>)
      %dma_wait3A_65 = arith.constant 384 : i32
      %dma_wait3A_66 = arith.constant 0 : i32
      %dma_wait3A_67 = tpu.memref_slice %arg8[%dma_wait3A_65, %dma_wait3A_66] : memref<512x128xf32, #tpu.memory_space<vmem>> -> memref<128x128xf32, #tpu.memory_space<vmem>>
      %dma_wait3A_68 = arith.constant 384 : i32
      %dma_wait3A_69 = tpu.memref_slice %arg6[%dma_wait3A_68] : memref<512xi32, #tpu.memory_space<vmem>> -> memref<128xi32, #tpu.memory_space<vmem>>
      %dma_wait3A_70 = arith.constant 0 : i32
      %dma_wait3A_71 = arith.constant 0 : i32
      %dma_wait3A_72 = tpu.memref_slice %arg2[%dma_wait3A_70, %dma_wait3A_71] : memref<103000x128xf32, #tpu.memory_space<hbm>> -> memref<103000x128xf32, #tpu.memory_space<hbm>>
      tpu.wait_indirect_dma semaphore(%arg9 : memref<!tpu.dma_semaphore, #tpu.memory_space<semaphore_mem>>) src(%dma_wait3A_72 : memref<103000x128xf32, #tpu.memory_space<hbm>>) dst(%dma_wait3A_67 : memref<128x128xf32, #tpu.memory_space<vmem>>)
      %dma_start3A_73 = arith.constant 0 : i32
      %dma_start3A_74 = arith.constant 0 : i32
      %dma_start3A_75 = tpu.memref_slice %arg8[%dma_start3A_73, %dma_start3A_74] : memref<512x128xf32, #tpu.memory_space<vmem>> -> memref<128x128xf32, #tpu.memory_space<vmem>>
      %dma_start3A_76 = arith.constant 0 : i32
      %dma_start3A_77 = tpu.memref_slice %arg7[%dma_start3A_76] : memref<512xi32, #tpu.memory_space<vmem>> -> memref<128xi32, #tpu.memory_space<vmem>>
      %dma_start3A_78 = arith.constant 0 : i32
      %dma_start3A_79 = arith.constant 0 : i32
      %dma_start3A_80 = tpu.memref_slice %arg2[%dma_start3A_78, %dma_start3A_79] : memref<103000x128xf32, #tpu.memory_space<hbm>> -> memref<103000x128xf32, #tpu.memory_space<hbm>>
      tpu.enqueue_indirect_dma source(%dma_start3A_80 : memref<103000x128xf32, #tpu.memory_space<hbm>>) target(%dma_start3A_75 : memref<128x128xf32, #tpu.memory_space<vmem>>) offsets(%dma_start3A_77 : memref<128xi32, #tpu.memory_space<vmem>>) semaphore(%arg9 : memref<!tpu.dma_semaphore, #tpu.memory_space<semaphore_mem>>) {add = true}
      %dma_start3A_81 = arith.constant 128 : i32
      %dma_start3A_82 = arith.constant 0 : i32
      %dma_start3A_83 = tpu.memref_slice %arg8[%dma_start3A_81, %dma_start3A_82] : memref<512x128xf32, #tpu.memory_space<vmem>> -> memref<128x128xf32, #tpu.memory_space<vmem>>
      %dma_start3A_84 = arith.constant 128 : i32
      %dma_start3A_85 = tpu.memref_slice %arg7[%dma_start3A_84] : memref<512xi32, #tpu.memory_space<vmem>> -> memref<128xi32, #tpu.memory_space<vmem>>
      %dma_start3A_86 = arith.constant 0 : i32
      %dma_start3A_87 = arith.constant 0 : i32
      %dma_start3A_88 = tpu.memref_slice %arg2[%dma_start3A_86, %dma_start3A_87] : memref<103000x128xf32, #tpu.memory_space<hbm>> -> memref<103000x128xf32, #tpu.memory_space<hbm>>
      tpu.enqueue_indirect_dma source(%dma_start3A_88 : memref<103000x128xf32, #tpu.memory_space<hbm>>) target(%dma_start3A_83 : memref<128x128xf32, #tpu.memory_space<vmem>>) offsets(%dma_start3A_85 : memref<128xi32, #tpu.memory_space<vmem>>) semaphore(%arg9 : memref<!tpu.dma_semaphore, #tpu.memory_space<semaphore_mem>>) {add = true}
      %dma_start3A_89 = arith.constant 256 : i32
      %dma_start3A_90 = arith.constant 0 : i32
      %dma_start3A_91 = tpu.memref_slice %arg8[%dma_start3A_89, %dma_start3A_90] : memref<512x128xf32, #tpu.memory_space<vmem>> -> memref<128x128xf32, #tpu.memory_space<vmem>>
      %dma_start3A_92 = arith.constant 256 : i32
      %dma_start3A_93 = tpu.memref_slice %arg7[%dma_start3A_92] : memref<512xi32, #tpu.memory_space<vmem>> -> memref<128xi32, #tpu.memory_space<vmem>>
      %dma_start3A_94 = arith.constant 0 : i32
      %dma_start3A_95 = arith.constant 0 : i32
      %dma_start3A_96 = tpu.memref_slice %arg2[%dma_start3A_94, %dma_start3A_95] : memref<103000x128xf32, #tpu.memory_space<hbm>> -> memref<103000x128xf32, #tpu.memory_space<hbm>>
      tpu.enqueue_indirect_dma source(%dma_start3A_96 : memref<103000x128xf32, #tpu.memory_space<hbm>>) target(%dma_start3A_91 : memref<128x128xf32, #tpu.memory_space<vmem>>) offsets(%dma_start3A_93 : memref<128xi32, #tpu.memory_space<vmem>>) semaphore(%arg9 : memref<!tpu.dma_semaphore, #tpu.memory_space<semaphore_mem>>) {add = true}
      %dma_start3A_97 = arith.constant 384 : i32
      %dma_start3A_98 = arith.constant 0 : i32
      %dma_start3A_99 = tpu.memref_slice %arg8[%dma_start3A_97, %dma_start3A_98] : memref<512x128xf32, #tpu.memory_space<vmem>> -> memref<128x128xf32, #tpu.memory_space<vmem>>
      %dma_start3A_100 = arith.constant 384 : i32
      %dma_start3A_101 = tpu.memref_slice %arg7[%dma_start3A_100] : memref<512xi32, #tpu.memory_space<vmem>> -> memref<128xi32, #tpu.memory_space<vmem>>
      %dma_start3A_102 = arith.constant 0 : i32
      %dma_start3A_103 = arith.constant 0 : i32
      %dma_start3A_104 = tpu.memref_slice %arg2[%dma_start3A_102, %dma_start3A_103] : memref<103000x128xf32, #tpu.memory_space<hbm>> -> memref<103000x128xf32, #tpu.memory_space<hbm>>
      tpu.enqueue_indirect_dma source(%dma_start3A_104 : memref<103000x128xf32, #tpu.memory_space<hbm>>) target(%dma_start3A_99 : memref<128x128xf32, #tpu.memory_space<vmem>>) offsets(%dma_start3A_101 : memref<128xi32, #tpu.memory_space<vmem>>) semaphore(%arg9 : memref<!tpu.dma_semaphore, #tpu.memory_space<semaphore_mem>>) {add = true}
      %dma_wait3A_105 = arith.constant 0 : i32
      %dma_wait3A_106 = arith.constant 0 : i32
      %dma_wait3A_107 = tpu.memref_slice %arg8[%dma_wait3A_105, %dma_wait3A_106] : memref<512x128xf32, #tpu.memory_space<vmem>> -> memref<128x128xf32, #tpu.memory_space<vmem>>
      %dma_wait3A_108 = arith.constant 0 : i32
      %dma_wait3A_109 = tpu.memref_slice %arg7[%dma_wait3A_108] : memref<512xi32, #tpu.memory_space<vmem>> -> memref<128xi32, #tpu.memory_space<vmem>>
      %dma_wait3A_110 = arith.constant 0 : i32
      %dma_wait3A_111 = arith.constant 0 : i32
      %dma_wait3A_112 = tpu.memref_slice %arg2[%dma_wait3A_110, %dma_wait3A_111] : memref<103000x128xf32, #tpu.memory_space<hbm>> -> memref<103000x128xf32, #tpu.memory_space<hbm>>
      tpu.wait_indirect_dma semaphore(%arg9 : memref<!tpu.dma_semaphore, #tpu.memory_space<semaphore_mem>>) src(%dma_wait3A_112 : memref<103000x128xf32, #tpu.memory_space<hbm>>) dst(%dma_wait3A_107 : memref<128x128xf32, #tpu.memory_space<vmem>>)
      %dma_wait3A_113 = arith.constant 128 : i32
      %dma_wait3A_114 = arith.constant 0 : i32
      %dma_wait3A_115 = tpu.memref_slice %arg8[%dma_wait3A_113, %dma_wait3A_114] : memref<512x128xf32, #tpu.memory_space<vmem>> -> memref<128x128xf32, #tpu.memory_space<vmem>>
      %dma_wait3A_116 = arith.constant 128 : i32
      %dma_wait3A_117 = tpu.memref_slice %arg7[%dma_wait3A_116] : memref<512xi32, #tpu.memory_space<vmem>> -> memref<128xi32, #tpu.memory_space<vmem>>
      %dma_wait3A_118 = arith.constant 0 : i32
      %dma_wait3A_119 = arith.constant 0 : i32
      %dma_wait3A_120 = tpu.memref_slice %arg2[%dma_wait3A_118, %dma_wait3A_119] : memref<103000x128xf32, #tpu.memory_space<hbm>> -> memref<103000x128xf32, #tpu.memory_space<hbm>>
      tpu.wait_indirect_dma semaphore(%arg9 : memref<!tpu.dma_semaphore, #tpu.memory_space<semaphore_mem>>) src(%dma_wait3A_120 : memref<103000x128xf32, #tpu.memory_space<hbm>>) dst(%dma_wait3A_115 : memref<128x128xf32, #tpu.memory_space<vmem>>)
      %dma_wait3A_121 = arith.constant 256 : i32
      %dma_wait3A_122 = arith.constant 0 : i32
      %dma_wait3A_123 = tpu.memref_slice %arg8[%dma_wait3A_121, %dma_wait3A_122] : memref<512x128xf32, #tpu.memory_space<vmem>> -> memref<128x128xf32, #tpu.memory_space<vmem>>
      %dma_wait3A_124 = arith.constant 256 : i32
      %dma_wait3A_125 = tpu.memref_slice %arg7[%dma_wait3A_124] : memref<512xi32, #tpu.memory_space<vmem>> -> memref<128xi32, #tpu.memory_space<vmem>>
      %dma_wait3A_126 = arith.constant 0 : i32
      %dma_wait3A_127 = arith.constant 0 : i32
      %dma_wait3A_128 = tpu.memref_slice %arg2[%dma_wait3A_126, %dma_wait3A_127] : memref<103000x128xf32, #tpu.memory_space<hbm>> -> memref<103000x128xf32, #tpu.memory_space<hbm>>
      tpu.wait_indirect_dma semaphore(%arg9 : memref<!tpu.dma_semaphore, #tpu.memory_space<semaphore_mem>>) src(%dma_wait3A_128 : memref<103000x128xf32, #tpu.memory_space<hbm>>) dst(%dma_wait3A_123 : memref<128x128xf32, #tpu.memory_space<vmem>>)
      %dma_wait3A_129 = arith.constant 384 : i32
      %dma_wait3A_130 = arith.constant 0 : i32
      %dma_wait3A_131 = tpu.memref_slice %arg8[%dma_wait3A_129, %dma_wait3A_130] : memref<512x128xf32, #tpu.memory_space<vmem>> -> memref<128x128xf32, #tpu.memory_space<vmem>>
      %dma_wait3A_132 = arith.constant 384 : i32
      %dma_wait3A_133 = tpu.memref_slice %arg7[%dma_wait3A_132] : memref<512xi32, #tpu.memory_space<vmem>> -> memref<128xi32, #tpu.memory_space<vmem>>
      %dma_wait3A_134 = arith.constant 0 : i32
      %dma_wait3A_135 = arith.constant 0 : i32
      %dma_wait3A_136 = tpu.memref_slice %arg2[%dma_wait3A_134, %dma_wait3A_135] : memref<103000x128xf32, #tpu.memory_space<hbm>> -> memref<103000x128xf32, #tpu.memory_space<hbm>>
      tpu.wait_indirect_dma semaphore(%arg9 : memref<!tpu.dma_semaphore, #tpu.memory_space<semaphore_mem>>) src(%dma_wait3A_136 : memref<103000x128xf32, #tpu.memory_space<hbm>>) dst(%dma_wait3A_131 : memref<128x128xf32, #tpu.memory_space<vmem>>)
      "tpu.region"() ({
        %run_scoped3A = tpu.sem_alloc : memref<!tpu.dma_semaphore, #tpu.memory_space<semaphore_mem>>
        %dma_start3A_137 = arith.constant 0 : i32
        %dma_start3A_138 = tpu.memref_slice %arg5[%add3A_10, %dma_start3A_137] : memref<409600x128xf32, #tpu.memory_space<hbm>> -> memref<512x128xf32, #tpu.memory_space<hbm>>
        %dma_start3A_139 = arith.constant 0 : i32
        %dma_start3A_140 = tpu.memref_slice %arg5[%add3A_10, %dma_start3A_139] : memref<409600x128xf32, #tpu.memory_space<hbm>> -> memref<512x128xf32, #tpu.memory_space<hbm>>
        tpu.enqueue_dma source(%arg8 : memref<512x128xf32, #tpu.memory_space<vmem>>) target(%dma_start3A_140 : memref<512x128xf32, #tpu.memory_space<hbm>>) target_semaphore(%run_scoped3A : memref<!tpu.dma_semaphore, #tpu.memory_space<semaphore_mem>>)
        %dma_wait3A_141 = arith.constant 0 : i32
        %dma_wait3A_142 = tpu.memref_slice %arg5[%add3A_10, %dma_wait3A_141] : memref<409600x128xf32, #tpu.memory_space<hbm>> -> memref<512x128xf32, #tpu.memory_space<hbm>>
        %dma_wait3A_143 = arith.constant 0 : i32
        %dma_wait3A_144 = tpu.memref_slice %arg5[%add3A_10, %dma_wait3A_143] : memref<409600x128xf32, #tpu.memory_space<hbm>> -> memref<512x128xf32, #tpu.memory_space<hbm>>
        tpu.wait_dma2 semaphore(%run_scoped3A : memref<!tpu.dma_semaphore, #tpu.memory_space<semaphore_mem>>) src(%arg8 : memref<512x128xf32, #tpu.memory_space<vmem>>) dst(%dma_wait3A_144 : memref<512x128xf32, #tpu.memory_space<hbm>>)
        tpu.yield
      }) : () -> ()
    }
    %scan3A_6 = arith.constant 25 : i32
    return
  }
}

module attributes {stable_mosaic.version = 14 : i64} {
  func.func @_lstm_body(%arg0: i32, %arg1: i32, %arg2: memref<1x2048x256xf32, #tpu.memory_space<vmem>>, %arg3: memref<1x2048x1xf32, #tpu.memory_space<vmem>>, %arg4: memref<256x1024xf32, #tpu.memory_space<vmem>>, %arg5: memref<256x1024xf32, #tpu.memory_space<vmem>>, %arg6: memref<1x1024xf32, #tpu.memory_space<vmem>>, %arg7: memref<1x1024xf32, #tpu.memory_space<vmem>>, %arg8: memref<256x256xf32, #tpu.memory_space<vmem>>, %arg9: memref<1x256xf32, #tpu.memory_space<vmem>>, %arg10: memref<256x100xf32, #tpu.memory_space<vmem>>, %arg11: memref<1x100xf32, #tpu.memory_space<vmem>>, %arg12: memref<2048x100xf32, #tpu.memory_space<vmem>>, %arg13: memref<2048x256xf32, #tpu.memory_space<vmem>>, %arg14: memref<2048x256xf32, #tpu.memory_space<vmem>>, %arg15: memref<2048x1024xf32, #tpu.memory_space<vmem>>) attributes {dimension_semantics = [#tpu.dimension_semantics<arbitrary>, #tpu.dimension_semantics<arbitrary>], iteration_bounds = array<i64: 2, 51>, scalar_prefetch = 0 : i64, scratch_operands = 3 : i64, tpu.core_type = #tpu.core_type<tc>, window_params = [{transform_indices = @transform_0, window_bounds = array<i64: 1, 2048, 256>}, {transform_indices = @transform_1, window_bounds = array<i64: 1, 2048, 1>}, {pipeline_mode = #tpu.pipeline_mode<synchronous>, transform_indices = @transform_2, window_bounds = array<i64: 256, 1024>}, {pipeline_mode = #tpu.pipeline_mode<synchronous>, transform_indices = @transform_3, window_bounds = array<i64: 256, 1024>}, {pipeline_mode = #tpu.pipeline_mode<synchronous>, transform_indices = @transform_4, window_bounds = array<i64: 1, 1024>}, {pipeline_mode = #tpu.pipeline_mode<synchronous>, transform_indices = @transform_5, window_bounds = array<i64: 1, 1024>}, {pipeline_mode = #tpu.pipeline_mode<synchronous>, transform_indices = @transform_6, window_bounds = array<i64: 256, 256>}, {pipeline_mode = #tpu.pipeline_mode<synchronous>, transform_indices = @transform_7, window_bounds = array<i64: 1, 256>}, {pipeline_mode = #tpu.pipeline_mode<synchronous>, transform_indices = @transform_8, window_bounds = array<i64: 256, 100>}, {pipeline_mode = #tpu.pipeline_mode<synchronous>, transform_indices = @transform_9, window_bounds = array<i64: 1, 100>}, {transform_indices = @transform_10, window_bounds = array<i64: 2048, 100>}]} {
    %eq3A = arith.constant 0 : i32
    %eq3A_0 = arith.cmpi eq, %arg1, %eq3A : i32
    %get3A = arith.constant 0 : index
    %get3A_1 = arith.constant 0 : index
    %get3A_2 = vector.load %arg15[%get3A, %get3A_1] : memref<2048x1024xf32, #tpu.memory_space<vmem>>, vector<2048x1024xf32>
    %get3A_3 = arith.constant 0 : index
    %get3A_4 = arith.constant 0 : index
    %get3A_5 = vector.load %arg13[%get3A_3, %get3A_4] : memref<2048x256xf32, #tpu.memory_space<vmem>>, vector<2048x256xf32>
    %get3A_6 = arith.constant 0 : index
    %get3A_7 = arith.constant 0 : index
    %get3A_8 = vector.load %arg5[%get3A_6, %get3A_7] : memref<256x1024xf32, #tpu.memory_space<vmem>>, vector<256x1024xf32>
    %dot_general3A = arith.constant dense<0.000000e+00> : vector<2048x1024xf32>
    %dot_general3A_9 = tpu.matmul %get3A_5, %get3A_8, %dot_general3A {dimension_numbers = #tpu.dot_dimension_numbers<[1], [0], [0], [1], [0, 0, 1, 1], [], []>, transpose_lhs_hint = false} : vector<2048x256xf32>, vector<256x1024xf32>, vector<2048x1024xf32> -> vector<2048x1024xf32>
    %add3A = arith.addf %get3A_2, %dot_general3A_9 : vector<2048x1024xf32>
    %slice3A = vector.extract_strided_slice %add3A {offsets = [0, 0], sizes = [2048, 256], strides = [1, 1]} : vector<2048x1024xf32> to vector<2048x256xf32>
    %mul3A = arith.constant 5.000000e-01 : f32
    %mul3A_10 = vector.broadcast %mul3A : f32 to vector<2048x256xf32>
    %mul3A_11 = arith.mulf %mul3A_10, %slice3A : vector<2048x256xf32>
    %tanh3A = math.tanh %mul3A_11 : vector<2048x256xf32>
    %mul3A_12 = arith.constant 5.000000e-01 : f32
    %mul3A_13 = vector.broadcast %mul3A_12 : f32 to vector<2048x256xf32>
    %mul3A_14 = arith.mulf %mul3A_13, %tanh3A : vector<2048x256xf32>
    %add3A_15 = arith.constant 5.000000e-01 : f32
    %add3A_16 = vector.broadcast %add3A_15 : f32 to vector<2048x256xf32>
    %add3A_17 = arith.addf %mul3A_14, %add3A_16 : vector<2048x256xf32>
    %slice3A_18 = vector.extract_strided_slice %add3A {offsets = [0, 256], sizes = [2048, 256], strides = [1, 1]} : vector<2048x1024xf32> to vector<2048x256xf32>
    %mul3A_19 = arith.constant 5.000000e-01 : f32
    %mul3A_20 = vector.broadcast %mul3A_19 : f32 to vector<2048x256xf32>
    %mul3A_21 = arith.mulf %mul3A_20, %slice3A_18 : vector<2048x256xf32>
    %tanh3A_22 = math.tanh %mul3A_21 : vector<2048x256xf32>
    %mul3A_23 = arith.constant 5.000000e-01 : f32
    %mul3A_24 = vector.broadcast %mul3A_23 : f32 to vector<2048x256xf32>
    %mul3A_25 = arith.mulf %mul3A_24, %tanh3A_22 : vector<2048x256xf32>
    %add3A_26 = arith.constant 5.000000e-01 : f32
    %add3A_27 = vector.broadcast %add3A_26 : f32 to vector<2048x256xf32>
    %add3A_28 = arith.addf %mul3A_25, %add3A_27 : vector<2048x256xf32>
    %slice3A_29 = vector.extract_strided_slice %add3A {offsets = [0, 512], sizes = [2048, 256], strides = [1, 1]} : vector<2048x1024xf32> to vector<2048x256xf32>
    %tanh3A_30 = math.tanh %slice3A_29 : vector<2048x256xf32>
    %slice3A_31 = vector.extract_strided_slice %add3A {offsets = [0, 768], sizes = [2048, 256], strides = [1, 1]} : vector<2048x1024xf32> to vector<2048x256xf32>
    %mul3A_32 = arith.constant 5.000000e-01 : f32
    %mul3A_33 = vector.broadcast %mul3A_32 : f32 to vector<2048x256xf32>
    %mul3A_34 = arith.mulf %mul3A_33, %slice3A_31 : vector<2048x256xf32>
    %tanh3A_35 = math.tanh %mul3A_34 : vector<2048x256xf32>
    %mul3A_36 = arith.constant 5.000000e-01 : f32
    %mul3A_37 = vector.broadcast %mul3A_36 : f32 to vector<2048x256xf32>
    %mul3A_38 = arith.mulf %mul3A_37, %tanh3A_35 : vector<2048x256xf32>
    %add3A_39 = arith.constant 5.000000e-01 : f32
    %add3A_40 = vector.broadcast %add3A_39 : f32 to vector<2048x256xf32>
    %add3A_41 = arith.addf %mul3A_38, %add3A_40 : vector<2048x256xf32>
    %get3A_42 = arith.constant 0 : index
    %get3A_43 = arith.constant 0 : index
    %get3A_44 = vector.load %arg14[%get3A_42, %get3A_43] : memref<2048x256xf32, #tpu.memory_space<vmem>>, vector<2048x256xf32>
    %mul3A_45 = arith.mulf %add3A_28, %get3A_44 : vector<2048x256xf32>
    %mul3A_46 = arith.mulf %add3A_17, %tanh3A_30 : vector<2048x256xf32>
    %add3A_47 = arith.addf %mul3A_45, %mul3A_46 : vector<2048x256xf32>
    %tanh3A_48 = math.tanh %add3A_47 : vector<2048x256xf32>
    %mul3A_49 = arith.mulf %add3A_41, %tanh3A_48 : vector<2048x256xf32>
    %jit3A = arith.constant 0.000000e+00 : f32
    %broadcast_in_dim3A = vector.broadcast %jit3A : f32 to vector<2048x256xf32>
    %select_n3A = arith.select %eq3A_0, %broadcast_in_dim3A, %mul3A_49 : vector<2048x256xf32>
    %swap3A = arith.constant 0 : index
    %swap3A_50 = arith.constant 0 : index
    %swap3A_51 = vector.load %arg13[%swap3A, %swap3A_50] : memref<2048x256xf32, #tpu.memory_space<vmem>>, vector<2048x256xf32>
    tpu.vector_store %arg13[%swap3A, %swap3A_50], %select_n3A {strides = array<i32>} : memref<2048x256xf32, #tpu.memory_space<vmem>>, vector<2048x256xf32>,
    %jit3A_52 = arith.constant 0.000000e+00 : f32
    %broadcast_in_dim3A_53 = vector.broadcast %jit3A_52 : f32 to vector<2048x256xf32>
    %select_n3A_54 = arith.select %eq3A_0, %broadcast_in_dim3A_53, %add3A_47 : vector<2048x256xf32>
    %swap3A_55 = arith.constant 0 : index
    %swap3A_56 = arith.constant 0 : index
    %swap3A_57 = vector.load %arg14[%swap3A_55, %swap3A_56] : memref<2048x256xf32, #tpu.memory_space<vmem>>, vector<2048x256xf32>
    tpu.vector_store %arg14[%swap3A_55, %swap3A_56], %select_n3A_54 {strides = array<i32>} : memref<2048x256xf32, #tpu.memory_space<vmem>>, vector<2048x256xf32>,
    %get3A_58 = arith.constant 0 : index
    %get3A_59 = arith.constant 0 : index
    %get3A_60 = arith.constant 0 : index
    %get3A_61 = vector.load %arg2[%get3A_58, %get3A_59, %get3A_60] : memref<1x2048x256xf32, #tpu.memory_space<vmem>>, vector<1x2048x256xf32>
    %get3A_62 = vector.shape_cast %get3A_61 : vector<1x2048x256xf32> to vector<2048x256xf32>
    %get3A_63 = arith.constant 0 : index
    %get3A_64 = arith.constant 0 : index
    %get3A_65 = arith.constant 0 : index
    %get3A_66 = vector.load %arg3[%get3A_63, %get3A_64, %get3A_65] : memref<1x2048x1xf32, #tpu.memory_space<vmem>>, vector<1x2048x1xf32>
    %get3A_67 = vector.shape_cast %get3A_66 : vector<1x2048x1xf32> to vector<2048x1xf32>
    %get3A_68 = arith.constant 0 : index
    %get3A_69 = arith.constant 0 : index
    %get3A_70 = vector.load %arg4[%get3A_68, %get3A_69] : memref<256x1024xf32, #tpu.memory_space<vmem>>, vector<256x1024xf32>
    %dot_general3A_71 = arith.constant dense<0.000000e+00> : vector<2048x1024xf32>
    %dot_general3A_72 = tpu.matmul %get3A_62, %get3A_70, %dot_general3A_71 {dimension_numbers = #tpu.dot_dimension_numbers<[1], [0], [0], [1], [0, 0, 1, 1], [], []>, transpose_lhs_hint = false} : vector<2048x256xf32>, vector<256x1024xf32>, vector<2048x1024xf32> -> vector<2048x1024xf32>
    %get3A_73 = arith.constant 0 : index
    %get3A_74 = arith.constant 0 : index
    %get3A_75 = vector.load %arg7[%get3A_73, %get3A_74] : memref<1x1024xf32, #tpu.memory_space<vmem>>, vector<1x1024xf32>
    %mul3A_76 = vector.broadcast %get3A_67 : vector<2048x1xf32> to vector<2048x1024xf32>
    %mul3A_77 = vector.broadcast %get3A_75 : vector<1x1024xf32> to vector<2048x1024xf32>
    %mul3A_78 = arith.mulf %mul3A_76, %mul3A_77 : vector<2048x1024xf32>
    %add3A_79 = arith.addf %dot_general3A_72, %mul3A_78 : vector<2048x1024xf32>
    %get3A_80 = arith.constant 0 : index
    %get3A_81 = arith.constant 0 : index
    %get3A_82 = vector.load %arg6[%get3A_80, %get3A_81] : memref<1x1024xf32, #tpu.memory_space<vmem>>, vector<1x1024xf32>
    %add3A_83 = vector.broadcast %get3A_82 : vector<1x1024xf32> to vector<2048x1024xf32>
    %add3A_84 = arith.addf %add3A_79, %add3A_83 : vector<2048x1024xf32>
    %swap3A_85 = arith.constant 0 : index
    %swap3A_86 = arith.constant 0 : index
    %swap3A_87 = vector.load %arg15[%swap3A_85, %swap3A_86] : memref<2048x1024xf32, #tpu.memory_space<vmem>>, vector<2048x1024xf32>
    tpu.vector_store %arg15[%swap3A_85, %swap3A_86], %add3A_84 {strides = array<i32>} : memref<2048x1024xf32, #tpu.memory_space<vmem>>, vector<2048x1024xf32>,
    %eq3A_88 = arith.constant 50 : i32
    %eq3A_89 = arith.cmpi eq, %arg1, %eq3A_88 : i32
    %convert_element_type3A = arith.extui %eq3A_89 : i1 to i32
    %cond3A = arith.constant 0 : i32
    %cond3A_90 = arith.cmpi ne, %convert_element_type3A, %cond3A : i32
    scf.if %cond3A_90 {
      %get3A_91 = arith.constant 0 : index
      %get3A_92 = arith.constant 0 : index
      %get3A_93 = vector.load %arg13[%get3A_91, %get3A_92] : memref<2048x256xf32, #tpu.memory_space<vmem>>, vector<2048x256xf32>
      %get3A_94 = arith.constant 0 : index
      %get3A_95 = arith.constant 0 : index
      %get3A_96 = vector.load %arg8[%get3A_94, %get3A_95] : memref<256x256xf32, #tpu.memory_space<vmem>>, vector<256x256xf32>
      %dot_general3A_97 = arith.constant dense<0.000000e+00> : vector<2048x256xf32>
      %dot_general3A_98 = tpu.matmul %get3A_93, %get3A_96, %dot_general3A_97 {dimension_numbers = #tpu.dot_dimension_numbers<[1], [0], [0], [1], [0, 0, 1, 1], [], []>, transpose_lhs_hint = false} : vector<2048x256xf32>, vector<256x256xf32>, vector<2048x256xf32> -> vector<2048x256xf32>
      %get3A_99 = arith.constant 0 : index
      %get3A_100 = arith.constant 0 : index
      %get3A_101 = vector.load %arg9[%get3A_99, %get3A_100] : memref<1x256xf32, #tpu.memory_space<vmem>>, vector<1x256xf32>
      %add3A_102 = vector.broadcast %get3A_101 : vector<1x256xf32> to vector<2048x256xf32>
      %add3A_103 = arith.addf %dot_general3A_98, %add3A_102 : vector<2048x256xf32>
      %max3A = arith.constant 0.000000e+00 : f32
      %max3A_104 = vector.broadcast %max3A : f32 to vector<2048x256xf32>
      %max3A_105 = arith.maximumf %add3A_103, %max3A_104 : vector<2048x256xf32>
      %get3A_106 = arith.constant 0 : index
      %get3A_107 = arith.constant 0 : index
      %get3A_108 = vector.load %arg10[%get3A_106, %get3A_107] : memref<256x100xf32, #tpu.memory_space<vmem>>, vector<256x100xf32>
      %dot_general3A_109 = arith.constant dense<0.000000e+00> : vector<2048x100xf32>
      %dot_general3A_110 = tpu.matmul %max3A_105, %get3A_108, %dot_general3A_109 {dimension_numbers = #tpu.dot_dimension_numbers<[1], [0], [0], [1], [0, 0, 1, 1], [], []>, transpose_lhs_hint = false} : vector<2048x256xf32>, vector<256x100xf32>, vector<2048x100xf32> -> vector<2048x100xf32>
      %get3A_111 = arith.constant 0 : index
      %get3A_112 = arith.constant 0 : index
      %get3A_113 = vector.load %arg11[%get3A_111, %get3A_112] : memref<1x100xf32, #tpu.memory_space<vmem>>, vector<1x100xf32>
      %add3A_114 = vector.broadcast %get3A_113 : vector<1x100xf32> to vector<2048x100xf32>
      %add3A_115 = arith.addf %dot_general3A_110, %add3A_114 : vector<2048x100xf32>
      %swap3A_116 = arith.constant 0 : index
      %swap3A_117 = arith.constant 0 : index
      %swap3A_118 = vector.load %arg12[%swap3A_116, %swap3A_117] : memref<2048x100xf32, #tpu.memory_space<vmem>>, vector<2048x100xf32>
      tpu.vector_store %arg12[%swap3A_116, %swap3A_117], %add3A_115 {strides = array<i32>} : memref<2048x100xf32, #tpu.memory_space<vmem>>, vector<2048x100xf32>,
    } else {
    }
    return
  }
  func.func @transform_0(%arg0: i32, %arg1: i32) -> (i32, i32, i32) {
    %min3A = arith.constant 49 : i32
    %min3A_0 = arith.minsi %arg1, %min3A : i32
    %c0_i32 = arith.constant 0 : i32
    %c0_i32_1 = arith.constant 0 : i32
    return %min3A_0, %arg0, %c0_i32 : i32, i32, i32
  }
  func.func @transform_1(%arg0: i32, %arg1: i32) -> (i32, i32, i32) {
    %min3A = arith.constant 49 : i32
    %min3A_0 = arith.minsi %arg1, %min3A : i32
    %c0_i32 = arith.constant 0 : i32
    %c0_i32_1 = arith.constant 0 : i32
    return %min3A_0, %arg0, %c0_i32 : i32, i32, i32
  }
  func.func @transform_2(%arg0: i32, %arg1: i32) -> (i32, i32) {
    %c0_i32 = arith.constant 0 : i32
    %c0_i32_0 = arith.constant 0 : i32
    %c0_i32_1 = arith.constant 0 : i32
    return %c0_i32, %c0_i32_0 : i32, i32
  }
  func.func @transform_3(%arg0: i32, %arg1: i32) -> (i32, i32) {
    %c0_i32 = arith.constant 0 : i32
    %c0_i32_0 = arith.constant 0 : i32
    %c0_i32_1 = arith.constant 0 : i32
    return %c0_i32, %c0_i32_0 : i32, i32
  }
  func.func @transform_4(%arg0: i32, %arg1: i32) -> (i32, i32) {
    %c0_i32 = arith.constant 0 : i32
    %c0_i32_0 = arith.constant 0 : i32
    %c0_i32_1 = arith.constant 0 : i32
    return %c0_i32, %c0_i32_0 : i32, i32
  }
  func.func @transform_5(%arg0: i32, %arg1: i32) -> (i32, i32) {
    %c0_i32 = arith.constant 0 : i32
    %c0_i32_0 = arith.constant 0 : i32
    %c0_i32_1 = arith.constant 0 : i32
    return %c0_i32, %c0_i32_0 : i32, i32
  }
  func.func @transform_6(%arg0: i32, %arg1: i32) -> (i32, i32) {
    %c0_i32 = arith.constant 0 : i32
    %c0_i32_0 = arith.constant 0 : i32
    %c0_i32_1 = arith.constant 0 : i32
    return %c0_i32, %c0_i32_0 : i32, i32
  }
  func.func @transform_7(%arg0: i32, %arg1: i32) -> (i32, i32) {
    %c0_i32 = arith.constant 0 : i32
    %c0_i32_0 = arith.constant 0 : i32
    %c0_i32_1 = arith.constant 0 : i32
    return %c0_i32, %c0_i32_0 : i32, i32
  }
  func.func @transform_8(%arg0: i32, %arg1: i32) -> (i32, i32) {
    %c0_i32 = arith.constant 0 : i32
    %c0_i32_0 = arith.constant 0 : i32
    %c0_i32_1 = arith.constant 0 : i32
    return %c0_i32, %c0_i32_0 : i32, i32
  }
  func.func @transform_9(%arg0: i32, %arg1: i32) -> (i32, i32) {
    %c0_i32 = arith.constant 0 : i32
    %c0_i32_0 = arith.constant 0 : i32
    %c0_i32_1 = arith.constant 0 : i32
    return %c0_i32, %c0_i32_0 : i32, i32
  }
  func.func @transform_10(%arg0: i32, %arg1: i32) -> (i32, i32) {
    %c0_i32 = arith.constant 0 : i32
    %c0_i32_0 = arith.constant 0 : i32
    return %arg0, %c0_i32 : i32, i32
  }
}

</mosaic_0001>

<sc_bundles>
// kernel: kernel.4.cloned.1.call-start
scs
__scs_entry_jumppad:
0x0: {  	(pc) =	sbr.rel $0x88, $3  }
0x1: {  	(tag) =	ssettag $0x0;
	lr =	simm.s32 $0x1  }
0x2: {  	[smem:$0x3F8E] =	sst lr;
	_ =	strace $0xD0000000  }
0x3: {  	_ = 	snop  }
0x4: {  	_ = 	snop  }
0x5: {  	_ = 	snop  }
0x6: {  	_ = 	snop  }
0x7: {  	_ = 	snop  }
__scs_overlays_trampoline_lowered:
0x8: {  	[smem:$0x3F9D] =	sst s0  }
0x9: {  	[smem:$0x3F9E] =	sst s1  }
0xa: {  	[smem:$0x3F9F] =	sst s2  }
0xb: {  	[smem:$0x3FA0] =	sst s3  }
0xc: {  	[smem:$0x3FA1] =	sst s4  }
0xd: {  	[smem:$0x3FA2] =	sst s5  }
0xe: {  	[smem:$0x3FA3] =	sst s6  }
0xf: {  	[smem:$0x3FA4] =	sst s7  }
0x10: {  	[smem:$0x3FA5] =	sst s8  }
0x11: {  	[smem:$0x3FA6] =	sst s9;
	s0 =	simm.s32 @!p0 $0x0  }
0x12: {  	s1 =	sld [smem:$0x3F8C];
	s0 =	simm.s32 @p0 $0x1  }
0x13: {  	[smem:$0x3FA7] =	sst s0;
	s0 =	simm.s32 @!p1 $0x0  }
0x14: {  	s2 =	sld [smem:$0x3F8B];
	s0 =	simm.s32 @p1 $0x1  }
0x15: {  	[smem:$0x3FA8] =	sst s0;
	s0 =	simm.s32 @!p2 $0x0  }
0x16: {  	s3 =	sld [smem:$0x3FDB];
	s0 =	simm.s32 @p2 $0x1  }
0x17: {  	s4 =	simm.s32 $0x1BF5;
	[smem:$0x3FAA] =	sst s0  }
0x18: {  	s0 =	sld [smem:$0x3F8D];
	_ =	swait.ge [sflag:s4], $0x0  }
0x19: {  	s7 =	sld [smem:$0x3F8E]  }
0x1a: {  	s8 =	sadd.s32 $0xFFFFE003, lr  }
0x1b: {  	s9 =	sadd.s32 $0xFFFFFEF7, lr;
	s5 =	simm.s32 $0xFFFFFFFF;
	p2 =	slt.u32 s8, $0xFFFFF086  }
0x1c: {  	p1 =	slt.u32 s9, $0xF7A;
	s5 =	simm.s32 @!p2 $0x0  }
0x1d: {  	s5 =	simm.s32 @p1 $0x1;
	p0 =	seq.s32 s7, s2  }
0x1e: {  	s7 =	smul.u32 @!p0 $0xF7A, s2;
	p2 =	seq.s32 @!p0 s5, $0x0  }
0x1f: {  	s9 =	smul.u32 $0xF7A, s1;
	s8 =	simm.s32 @!p0 $0x1BF5;
	p2 =	por !p2, p0  }
0x20: {  	[sflag:s8] =	ssyncset.s32 @!p0 $0xFFFFF086;
	s6 =	sadd.s32 @!p0 s3, s7;
	s7 =	simm.s32 @!p0 $0x108  }
0x21: {  	s3 =	sadd.s32 s3, s9;
	s6 =	sadd.s32 @!p0 $0x88, s6;
	s7 =	simm.s32 @p2 $0x1082  }
0x22: {  	[simem:s7], [sflag:s8] =	dma.local @!p0 [hbm:s6], $0xF7A  }
0x23: {  	s9 =	sor.u32 $0xD0000000, s2;
	s6 =	simm.s32 $0x108;
	_ =	swait.ge @!p0 [sflag:s8], $0x0  }
0x24: {  	s3 =	sadd.s32 $0x88, s3;
	s6 =	simm.s32 @!p1 $0x1082;
	[sflag:s4] =	ssyncset.s32 $0xFFFFF086  }
0x25: {  	[simem:s6], [sflag:s4] =	dma.local [hbm:s3], $0xF7A  }
0x26: {  	[smem:$0x3F8E] =	sst s1;
	(tag) =	ssettag s2;
	_ =	strace s9  }
0x27: {  	s1 =	sld [smem:$0x3F9E]  }
0x28: {  	s2 =	sld [smem:$0x3F9F]  }
0x29: {  	s4 =	sld [smem:$0x3FA1]  }
0x2a: {  	p0 =	seq.s32 s5, $0x0;
	s5 =	sld [smem:$0x3FA2]  }
0x2b: {  	s6 =	sld [smem:$0x3FA3]  }
0x2c: {  	s7 =	sld [smem:$0x3FA4]  }
0x2d: {  	s3 =	simm.s32 $0x108;
	s8 =	sld [smem:$0x3FA5]  }
0x2e: {  	s3 =	simm.s32 @!p0 $0x1082;
	s9 =	sld [smem:$0x3FA6]  }
0x2f: {  	lr =	sadd.s32 s0, s3;
	s0 =	sld [smem:$0x3F9D]  }
0x30: {  	s3 =	sld [smem:$0x3FA0]  }
0x31: {  	[smem:$0x3FA9] =	sst s10  }
0x32: {  	s10 =	sld [smem:$0x3FA7];
	_ =	sdelay $0x3  }
0x33: {  	p0 =	seq.s32 s10, $0x1;
	s10 =	sld [smem:$0x3FA9];
	_ =	sdelay $0x3  }
0x34: {  	[smem:$0x3FA9] =	sst s10  }
0x35: {  	s10 =	sld [smem:$0x3FA8];
	_ =	sdelay $0x3  }
0x36: {  	p1 =	seq.s32 s10, $0x1;
	s10 =	sld [smem:$0x3FA9];
	_ =	sdelay $0x3  }
0x37: {  	[smem:$0x3FA9] =	sst s10  }
0x38: {  	s10 =	sld [smem:$0x3FAA]  }
0x39: {  	_ = 	snop;
	(pc) =	sbr.ind lr, $3  }
0x3a: {  	_ = 	snop  }
0x3b: {  	_ = 	snop  }
0x3c: {  	p2 =	seq.s32 s10, $0x1;
	s10 =	sld [smem:$0x3FA9]  }
0x3d: {  	_ =	shalt  }
0x3e: {  	_ =	shalt  }
0x3f: {  	_ =	shalt  }
0x40: {  	_ =	shalt  }
0x41: {  	_ =	shalt  }
0x42: {  	_ =	shalt  }
0x43: {  	_ =	shalt  }
0x44: {  	_ =	shalt  }
0x45: {  	_ =	shalt  }
0x46: {  	_ =	shalt  }
0x47: {  	_ =	shalt  }
0x48: {  	_ =	shalt  }
0x49: {  	_ =	shalt  }
0x4a: {  	_ =	shalt  }
0x4b: {  	_ =	shalt  }
0x4c: {  	_ =	shalt  }
0x4d: {  	_ =	shalt  }
0x4e: {  	_ =	shalt  }
0x4f: {  	_ =	shalt  }
0x50: {  	_ =	shalt  }
0x51: {  	_ =	shalt  }
0x52: {  	_ =	shalt  }
0x53: {  	_ =	shalt  }
0x54: {  	_ =	shalt  }
0x55: {  	_ =	shalt  }
0x56: {  	_ =	shalt  }
0x57: {  	_ =	shalt  }
0x58: {  	_ =	shalt  }
0x59: {  	_ =	shalt  }
0x5a: {  	_ =	shalt  }
0x5b: {  	_ =	shalt  }
0x5c: {  	_ =	shalt  }
0x5d: {  	_ =	shalt  }
0x5e: {  	_ =	shalt  }
0x5f: {  	_ =	shalt  }
0x60: {  	_ =	shalt  }
0x61: {  	_ =	shalt  }
0x62: {  	_ =	shalt  }
0x63: {  	_ =	shalt  }
0x64: {  	_ =	shalt  }
0x65: {  	_ =	shalt  }
0x66: {  	_ =	shalt  }
0x67: {  	_ =	shalt  }
0x68: {  	_ =	shalt  }
0x69: {  	_ =	shalt  }
0x6a: {  	_ =	shalt  }
0x6b: {  	_ =	shalt  }
0x6c: {  	_ =	shalt  }
0x6d: {  	_ =	shalt  }
0x6e: {  	_ =	shalt  }
0x6f: {  	_ =	shalt  }
0x70: {  	_ =	shalt  }
0x71: {  	_ =	shalt  }
0x72: {  	_ =	shalt  }
0x73: {  	_ =	shalt  }
0x74: {  	_ =	shalt  }
0x75: {  	_ =	shalt  }
0x76: {  	_ =	shalt  }
0x77: {  	_ =	shalt  }
0x78: {  	_ =	shalt  }
0x79: {  	_ =	shalt  }
0x7a: {  	_ =	shalt  }
0x7b: {  	_ =	shalt  }
0x7c: {  	_ =	shalt  }
0x7d: {  	_ =	shalt  }
0x7e: {  	_ =	shalt  }
0x7f: {  	_ =	shalt  }
0x80: {  	_ =	shalt  }
0x81: {  	_ =	shalt  }
0x82: {  	_ =	shalt  }
0x83: {  	_ =	shalt  }
0x84: {  	_ =	shalt  }
0x85: {  	_ =	shalt  }
0x86: {  	_ =	shalt  }
0x87: {  	_ =	shalt  }
.Lfunc_end0:
.L_simem_size_0:
called_computation_lowered:
.L_overlay_start_0:
0x88: {  	s2 =	sld [smem:$0x3FD9]  }
0x89: {  	s3 =	sld [smem:$0x3FFE];
	_ =	sdelay $0x1  }
0x8a: {  	s1 =	srdreg.scid  }
0x8b: {  	s0 =	sand.u32 $0x1, s1  }
0x8c: {  	s17 =	sshll.u32 s0, $0xA;
	s2 =	sadd.s32 s3, s2  }
0x8d: {  	s2 =	sadd.s32 s2, s17  }
0x8e: {  	[smem:$0x3FB5] =	sst s2  }
0x8f: {  	_ = 	snop  }
0x90: {  	s2 =	sld [smem:$0x3FD0];
	(tm) =	ssettm $0x1  }
0x91: {  	s18 =	sld [smem:$0x3FFB];
	_ =	sdelay $0x3  }
0x92: {  	_ =	strace s18  }
0x93: {  	s3 =	sld [smem:$0x3FFC];
	_ =	sdelay $0x3  }
0x94: {  	_ =	strace s3  }
0x95: {  	s3 =	sld [smem:$0x3FFD];
	_ =	sdelay $0x3  }
0x96: {  	_ =	strace s3  }
0x97: {  	_ =	strace $0x8FFFFFFF  }
0x98: {  	s19 =	sld [smem:$0x3FDB];
	_ =	sdelay $0x1  }
0x99: {  	s4 =	simm.s32 $_scs_section_size  }
0x9a: {  	s5 =	simm.s32 $_size__tile_overlayer_lowered;
	s6 =	simm.s32 $_tile_overlayer_lowered  }
0x9b: {  	s22 =	simm.s32 $0x1BFF;
	s21 =	sshll.u32 s6, $0x1;
	s3 =	sadd.s32 s4, s19  }
0x9c: {  	s7 =	simm.s32 $0x0;
	s20 =	sshll.u32 s5, $0x1;
	s5 =	sadd.s32 s21, s3  }
0x9d: {  	[timem:s7], [sflag:s22] =	dma.local [hbm:s5], s20  }
0x9e: {  	_ =	swait.ge [sflag:s22], s20  }
0x9f: {  	s4 =	ssub.s32 $0x0, s20;
	[sflag:s22] =	ssyncset.done $0x0  }
0xa0: {  	[sflag:s22] =	ssyncadd.s32 s4;
	_ =	sdelay $0x1  }
0xa1: {  	s23 =	simm.s32 $0x1B8B  }
0xa2: {  	_ =	swait.ge [sflag:s23], $0x1  }
0xa3: {  	[sflag:s23] =	ssyncset.done $0x0  }
0xa4: {  	s25 =	simm.s32 $0x1B8E;
	s24 =	sld [smem:$0x3FFE];
	[sflag:s23] =	ssyncadd.s32 $0xFFFFFFFF  }
0xa5: {  	s26 =	simm.s32 $execute0_lowered;
	[smem:$0x3FD2] =	sst s25  }
0xa6: {  	s5 =	sshll.u32 s26, $0x1;
	_ =	strace $0x80000046;
	[dreg:$0x1] =	wrdreg $0xFFFFFFFF  }
0xa7: {  	s28 =	simm.s32 $_size_execute0_lowered;
	s3 =	sadd.s32 s3, s5;
	[dreg:$0x0] =	wrdreg $0x0  }
0xa8: {  	s5 =	sshll.u32 s28, $0x1;
	[dreg:$0x2] =	wrdreg s3  }
0xa9: {  	[dreg:$0x3] =	wrdreg s5  }
0xaa: {  	[dreg:$0x4] =	wrdreg $0xC0  }
0xab: {  	_ =	task [dreg:s7], $0x5FFFF  }
0xac: {  	[dreg:$0x1] =	wrdreg $0xFFFFFFFF  }
0xad: {  	[dreg:$0x0] =	wrdreg $0x60  }
0xae: {  	[dreg:$0x2] =	wrdreg s24  }
0xaf: {  	[dreg:$0x3] =	wrdreg s2  }
0xb0: {  	[dreg:$0x4] =	wrdreg $0x9  }
0xb1: {  	_ =	task.clear_ibuf [dreg:s7], $0x5FFFF;
	_ =	strace $0x90000046  }
0xb2: {  	s29 =	simm.s32 $0x9;
	_ =	strace $0x80000048  }
0xb3: {  	_ =	swait.ge [sflag:s29], $0x1  }
0xb4: {  	[sflag:s29] =	ssyncadd.s32 $0xFFFFFFFF  }
0xb5: {  	_ =	strace $0x90000048  }
0xb6: {  	_ =	sfence  }
0xb7: {  	s30 =	sld [smem:$0x0];
	_ =	sdelay $0x2  }
0xb8: {  	s31 =	sshll.u32 s1, $0xD;
	s1 =	sshrl.u32 s1, $0x2  }
0xb9: {  	s3 =	sand.u32 $0x4000, s31;
	s1 =	sadd.s32 s1, s30  }
0xba: {  	s0 =	sor.u32 s3, s0;
	s1 =	sshll.u32 s1, $0x11  }
0xbb: {  	s0 =	sor.u32 s1, s0  }
0xbc: {  	s0 =	sadd.s32 $0x8F2B, s0  }
0xbd: {  	[sflag:s0] =	ssyncadd.remote.s32 $0x1  }
0xbe: {  	_ =	sfence.sel $0xFFFF  }
0xbf: {  	[dreg:$0x0] =	wrdreg $0xFFFFFFFF;
	(pc) =	sbr.abs _section_cstart, $3  }
0xc0: {  	[dreg:$0x1] =	wrdreg $0xFFFFFFFF  }
0xc1: {  	_ =	task.clear_ibuf [dreg:s7], $0x2FFFF;
	_ =	strace $0x9FFFFFFF  }
0xc2: {  	(tm) =	ssettm $0x7FFFFFFF  }
0xc3: {  	_ =	shalt  }
tec
execute0_lowered:
.L_overlay_start_1:
0x0: {  	(tag) =	ssettag $0x1  }
0x1: {  	s4 =	rddreg [dreg:$0x0]  }
0x2: {  	s7 =	rddreg [dreg:$0x1]  }
0x3: {  	s0 =	rddreg [dreg:$0x2];
	s2 =	simm.s32 $0x0  }
0x4: {  	s3 =	srdreg.scid;
	s1 =	stileid.u32;
	s12 =	simm.s32 $0x4400  }
0x5: {  	s13 =	simm.s32 $0x100;
	s14 =	simm.s32 $0x8400;
	s15 =	simm.s32 $0x180  }
0x6: {  	s16 =	simm.s32 $0xC400;
	s17 =	simm.s32 $0x1;
	s18 =	simm.s32 $0x280  }
0x7: {  	s19 =	simm.s32 $0x300;
	s20 =	simm.s32 $0x380;
	s6 =	smul.u32 $0x6400, s1  }
0x8: {  	s21 =	simm.s32 $0x0;
	s5 =	sand.u32 $0x1, s3;
	s9 =	smul.u32 $0x64000, s1  }
0x9: {  	[smem:$0x7FF] =	sst s2;
	s3 =	sadd.s32 $0x330A00, s4;
	s8 =	smul.u32 $0x3200, s5  }
0xa: {  	_ =	strace $0x80000047;
	s28 =	ssub.s32 $0x2, s5;
	s5 =	smul.u32 $0x32000, s5  }
0xb: {  	s29 =	sadd.s32 s9, s4;
	s30 =	sshrl.u32 s28, $0x1;
	s9 =	simm.s32 $0x200  }
0xc: {  	s6 =	sadd.s32 s8, s6;
	s31 =	ssub.s32 s28, s30;
	s5 =	sadd.s32 s5, s29  }
0xd: {  	s8 =	simm.s32 $0x2;
	s10 =	sshrl.u32 s6, $0x3;
	s5 =	sadd.s32 $0x4C3000, s5  }
0xe: {  	s11 =	sadd.s32 s10, s4;
	s4 =	smax.u32 s31, $0x1;
	s7 =	sadd.s32 s10, s7  }
0xf: {  	s10 =	simm.s32 $0x80;
	s6 =	sadd.s32 $0x324200, s11;
	s11 =	simm.s32 $0x400  }
.LBB2_1:
0x10: {  	s22 =	sadd.s32 $0x0, s7  }
0x11: {  	[tilespmem:s2], [sflag:$0x2] =	stream.linear.gather [hbm4b:s22+s2], $0x200, $0x38;
	[tilespmem:$0x10400] =	vst v63  }
0x12: {  	_ =	swait.ge [sflag:s8], $0x200  }
0x13: {  	[sflag:s8] =	ssyncset.done $0x0  }
0x14: {  	s31 =	sadd.s32 $0x0, s6;
	[sflag:s8] =	ssyncadd.s32 $0xFFFFFE00  }
0x15: {  	[tilespmem:s9], [sflag:$0x2] =	stream.linear.gather [hbm4b:s31+s2], $0x200, $0x38;
	[tilespmem:$0x10400] =	vst v63  }
0x16: {  	_ =	swait.ge [sflag:s8], $0x200  }
0x17: {  	[sflag:s8] =	ssyncset.done $0x0  }
0x18: {  	[sflag:s8] =	ssyncadd.s32 $0xFFFFFE00  }
0x19: {  	[tilespmem:s11], [sflag:$0x1] =	stream.indirect.gather [hbm4b:s3+s10], $0x80, s2, s10, $0xb8;
	[tilespmem:$0x10400] =	vst v63  }
0x1a: {  	_ = 	snop  }
0x1b: {  	[tilespmem:s12], [sflag:$0x1] =	stream.indirect.gather [hbm4b:s3+s10], $0x80, s10, s10, $0xb8;
	[tilespmem:$0x10400] =	vst v63  }
0x1c: {  	_ = 	snop  }
0x1d: {  	[tilespmem:s14], [sflag:$0x1] =	stream.indirect.gather [hbm4b:s3+s10], $0x80, s13, s10, $0xb8;
	[tilespmem:$0x10400] =	vst v63  }
0x1e: {  	_ = 	snop  }
0x1f: {  	[tilespmem:s16], [sflag:$0x1] =	stream.indirect.gather [hbm4b:s3+s10], $0x80, s15, s10, $0xb8;
	[tilespmem:$0x10400] =	vst v63  }
0x20: {  	_ =	swait.ge [sflag:s17], $0x4000  }
0x21: {  	[sflag:s17] =	ssyncset.done $0x0  }
0x22: {  	[sflag:s17] =	ssyncadd.s32 $0xFFFFC000  }
0x23: {  	_ =	swait.ge [sflag:s17], $0x4000  }
0x24: {  	[sflag:s17] =	ssyncset.done $0x0  }
0x25: {  	[sflag:s17] =	ssyncadd.s32 $0xFFFFC000  }
0x26: {  	_ =	swait.ge [sflag:s17], $0x4000  }
0x27: {  	[sflag:s17] =	ssyncset.done $0x0  }
0x28: {  	[sflag:s17] =	ssyncadd.s32 $0xFFFFC000  }
0x29: {  	_ =	swait.ge [sflag:s17], $0x4000  }
0x2a: {  	[sflag:s17] =	ssyncset.done $0x0  }
0x2b: {  	[sflag:s17] =	ssyncadd.s32 $0xFFFFC000  }
0x2c: {  	[tilespmem:s11], [sflag:$0x1] =	stream.indirect.gather.add.f32 [hbm:s3], $0x80, s9, s10, $0xb8;
	[tilespmem:$0x10400] =	vst v63  }
0x2d: {  	_ = 	snop  }
0x2e: {  	[tilespmem:s12], [sflag:$0x1] =	stream.indirect.gather.add.f32 [hbm:s3], $0x80, s18, s10, $0xb8;
	[tilespmem:$0x10400] =	vst v63  }
0x2f: {  	_ = 	snop  }
0x30: {  	[tilespmem:s14], [sflag:$0x1] =	stream.indirect.gather.add.f32 [hbm:s3], $0x80, s19, s10, $0xb8;
	[tilespmem:$0x10400] =	vst v63  }
0x31: {  	_ = 	snop  }
0x32: {  	[tilespmem:s16], [sflag:$0x1] =	stream.indirect.gather.add.f32 [hbm:s3], $0x80, s20, s10, $0xb8;
	[tilespmem:$0x10400] =	vst v63  }
0x33: {  	_ =	swait.ge [sflag:s17], $0x4000  }
0x34: {  	[sflag:s17] =	ssyncset.done $0x0  }
0x35: {  	[sflag:s17] =	ssyncadd.s32 $0xFFFFC000  }
0x36: {  	_ =	swait.ge [sflag:s17], $0x4000  }
0x37: {  	[sflag:s17] =	ssyncset.done $0x0  }
0x38: {  	[sflag:s17] =	ssyncadd.s32 $0xFFFFC000  }
0x39: {  	_ =	swait.ge [sflag:s17], $0x4000  }
0x3a: {  	[sflag:s17] =	ssyncset.done $0x0  }
0x3b: {  	[sflag:s17] =	ssyncadd.s32 $0xFFFFC000  }
0x3c: {  	_ =	swait.ge [sflag:s17], $0x4000  }
0x3d: {  	[sflag:s17] =	ssyncset.done $0x0  }
0x3e: {  	[sflag:s17] =	ssyncadd.s32 $0xFFFFC000  }
0x3f: {  	[hbm4b:s5+s2] =	stream.linear.scatter [tilespmem:s11], [sflag:$0x2], $0x10000, $0x38;
	[tilespmem:$0x10400] =	vst v63  }
0x40: {  	s23 =	simm.s32 $0x40;
	_ =	swait.ge [sflag:s8], $0x10000  }
0x41: {  	s25 =	simm.s32 $0x80;
	s22 =	sadd.s32 $0x2000, s5;
	[sflag:s8] =	ssyncset.done $0x0  }
.LBB2_2:
0x42: {  	s26 =	sadd.s32 s23, s7  }
0x43: {  	[sflag:s8] =	ssyncadd.s32 $0xFFFF0000;
	s28 =	smov.u32 s25;
	s24 =	sadd.s32 $0x40, s25  }
0x44: {  	[tilespmem:s2], [sflag:$0x2] =	stream.linear.gather [hbm4b:s26+s2], $0x200, $0x38;
	[tilespmem:$0x10400] =	vst v63  }
0x45: {  	p0 =	sne.s32 s25, $0x600;
	_ =	swait.ge [sflag:s8], $0x200  }
0x46: {  	[sflag:s8] =	ssyncset.done $0x0  }
0x47: {  	s25 =	sadd.s32 s23, s6;
	s23 =	smov.u32 s28;
	[sflag:s8] =	ssyncadd.s32 $0xFFFFFE00  }
0x48: {  	[tilespmem:s9], [sflag:$0x2] =	stream.linear.gather [hbm4b:s25+s2], $0x200, $0x38;
	[tilespmem:$0x10400] =	vst v63  }
0x49: {  	_ =	swait.ge [sflag:s8], $0x200  }
0x4a: {  	[sflag:s8] =	ssyncset.done $0x0  }
0x4b: {  	[sflag:s8] =	ssyncadd.s32 $0xFFFFFE00  }
0x4c: {  	[tilespmem:s11], [sflag:$0x1] =	stream.indirect.gather [hbm4b:s3+s10], $0x80, s2, s10, $0xb8;
	[tilespmem:$0x10400] =	vst v63  }
0x4d: {  	_ = 	snop  }
0x4e: {  	[tilespmem:s12], [sflag:$0x1] =	stream.indirect.gather [hbm4b:s3+s10], $0x80, s10, s10, $0xb8;
	[tilespmem:$0x10400] =	vst v63  }
0x4f: {  	_ = 	snop  }
0x50: {  	[tilespmem:s14], [sflag:$0x1] =	stream.indirect.gather [hbm4b:s3+s10], $0x80, s13, s10, $0xb8;
	[tilespmem:$0x10400] =	vst v63  }
0x51: {  	_ = 	snop  }
0x52: {  	[tilespmem:s16], [sflag:$0x1] =	stream.indirect.gather [hbm4b:s3+s10], $0x80, s15, s10, $0xb8;
	[tilespmem:$0x10400] =	vst v63  }
0x53: {  	_ =	swait.ge [sflag:s17], $0x4000  }
0x54: {  	[sflag:s17] =	ssyncset.done $0x0  }
0x55: {  	[sflag:s17] =	ssyncadd.s32 $0xFFFFC000  }
0x56: {  	_ =	swait.ge [sflag:s17], $0x4000  }
0x57: {  	[sflag:s17] =	ssyncset.done $0x0  }
0x58: {  	[sflag:s17] =	ssyncadd.s32 $0xFFFFC000  }
0x59: {  	_ =	swait.ge [sflag:s17], $0x4000  }
0x5a: {  	[sflag:s17] =	ssyncset.done $0x0  }
0x5b: {  	[sflag:s17] =	ssyncadd.s32 $0xFFFFC000  }
0x5c: {  	_ =	swait.ge [sflag:s17], $0x4000  }
0x5d: {  	[sflag:s17] =	ssyncset.done $0x0  }
0x5e: {  	[sflag:s17] =	ssyncadd.s32 $0xFFFFC000  }
0x5f: {  	[tilespmem:s11], [sflag:$0x1] =	stream.indirect.gather.add.f32 [hbm:s3], $0x80, s9, s10, $0xb8;
	[tilespmem:$0x10400] =	vst v63  }
0x60: {  	_ = 	snop  }
0x61: {  	[tilespmem:s12], [sflag:$0x1] =	stream.indirect.gather.add.f32 [hbm:s3], $0x80, s18, s10, $0xb8;
	[tilespmem:$0x10400] =	vst v63  }
0x62: {  	_ = 	snop  }
0x63: {  	[tilespmem:s14], [sflag:$0x1] =	stream.indirect.gather.add.f32 [hbm:s3], $0x80, s19, s10, $0xb8;
	[tilespmem:$0x10400] =	vst v63  }
0x64: {  	_ = 	snop  }
0x65: {  	[tilespmem:s16], [sflag:$0x1] =	stream.indirect.gather.add.f32 [hbm:s3], $0x80, s20, s10, $0xb8;
	[tilespmem:$0x10400] =	vst v63  }
0x66: {  	_ =	swait.ge [sflag:s17], $0x4000  }
0x67: {  	[sflag:s17] =	ssyncset.done $0x0  }
0x68: {  	[sflag:s17] =	ssyncadd.s32 $0xFFFFC000  }
0x69: {  	_ =	swait.ge [sflag:s17], $0x4000  }
0x6a: {  	[sflag:s17] =	ssyncset.done $0x0  }
0x6b: {  	[sflag:s17] =	ssyncadd.s32 $0xFFFFC000  }
0x6c: {  	_ =	swait.ge [sflag:s17], $0x4000  }
0x6d: {  	[sflag:s17] =	ssyncset.done $0x0  }
0x6e: {  	[sflag:s17] =	ssyncadd.s32 $0xFFFFC000  }
0x6f: {  	_ =	swait.ge [sflag:s17], $0x4000  }
.Ltmp0:
0x70: {  	[sflag:s17] =	ssyncset.done $0x0;
	(pc) =	sbr.rel @p0 .LBB2_2-.Ltmp0, $4  }
0x71: {  	[sflag:s17] =	ssyncadd.s32 $0xFFFFC000  }
0x72: {  	[hbm4b:s22+s2] =	stream.linear.scatter [tilespmem:s11], [sflag:$0x2], $0x10000, $0x38;
	[tilespmem:$0x10400] =	vst v63  }
0x73: {  	_ =	swait.ge [sflag:s8], $0x10000  }
0x74: {  	s25 =	smov.u32 s24;
	s22 =	sadd.s32 $0x2000, s22;
	[sflag:s8] =	ssyncset.done $0x0  }
0x75: {  	s24 =	sadd.s32 s23, s7;
	[sflag:s8] =	ssyncadd.s32 $0xFFFF0000  }
0x76: {  	[tilespmem:s2], [sflag:$0x2] =	stream.linear.gather [hbm4b:s24+s2], $0x200, $0x38;
	[tilespmem:$0x10400] =	vst v63  }
0x77: {  	_ =	swait.ge [sflag:s8], $0x200  }
0x78: {  	[sflag:s8] =	ssyncset.done $0x0  }
0x79: {  	s31 =	sadd.s32 s23, s6;
	[sflag:s8] =	ssyncadd.s32 $0xFFFFFE00  }
0x7a: {  	[tilespmem:s9], [sflag:$0x2] =	stream.linear.gather [hbm4b:s31+s2], $0x200, $0x38;
	[tilespmem:$0x10400] =	vst v63  }
0x7b: {  	_ =	swait.ge [sflag:s8], $0x200  }
0x7c: {  	[sflag:s8] =	ssyncset.done $0x0  }
0x7d: {  	[sflag:s8] =	ssyncadd.s32 $0xFFFFFE00  }
0x7e: {  	[tilespmem:s11], [sflag:$0x1] =	stream.indirect.gather [hbm4b:s3+s10], $0x80, s2, s10, $0xb8;
	[tilespmem:$0x10400] =	vst v63  }
0x7f: {  	_ = 	snop  }
0x80: {  	[tilespmem:s12], [sflag:$0x1] =	stream.indirect.gather [hbm4b:s3+s10], $0x80, s10, s10, $0xb8;
	[tilespmem:$0x10400] =	vst v63  }
0x81: {  	_ = 	snop  }
0x82: {  	[tilespmem:s14], [sflag:$0x1] =	stream.indirect.gather [hbm4b:s3+s10], $0x80, s13, s10, $0xb8;
	[tilespmem:$0x10400] =	vst v63  }
0x83: {  	_ = 	snop  }
0x84: {  	[tilespmem:s16], [sflag:$0x1] =	stream.indirect.gather [hbm4b:s3+s10], $0x80, s15, s10, $0xb8;
	[tilespmem:$0x10400] =	vst v63  }
0x85: {  	_ =	swait.ge [sflag:s17], $0x4000  }
0x86: {  	[sflag:s17] =	ssyncset.done $0x0  }
0x87: {  	[sflag:s17] =	ssyncadd.s32 $0xFFFFC000  }
0x88: {  	_ =	swait.ge [sflag:s17], $0x4000  }
0x89: {  	[sflag:s17] =	ssyncset.done $0x0  }
0x8a: {  	[sflag:s17] =	ssyncadd.s32 $0xFFFFC000  }
0x8b: {  	_ =	swait.ge [sflag:s17], $0x4000  }
0x8c: {  	[sflag:s17] =	ssyncset.done $0x0  }
0x8d: {  	[sflag:s17] =	ssyncadd.s32 $0xFFFFC000  }
0x8e: {  	_ =	swait.ge [sflag:s17], $0x4000  }
0x8f: {  	[sflag:s17] =	ssyncset.done $0x0  }
0x90: {  	[sflag:s17] =	ssyncadd.s32 $0xFFFFC000  }
0x91: {  	[tilespmem:s11], [sflag:$0x1] =	stream.indirect.gather.add.f32 [hbm:s3], $0x80, s9, s10, $0xb8;
	[tilespmem:$0x10400] =	vst v63  }
0x92: {  	_ = 	snop  }
0x93: {  	[tilespmem:s12], [sflag:$0x1] =	stream.indirect.gather.add.f32 [hbm:s3], $0x80, s18, s10, $0xb8;
	[tilespmem:$0x10400] =	vst v63  }
0x94: {  	_ = 	snop  }
0x95: {  	[tilespmem:s14], [sflag:$0x1] =	stream.indirect.gather.add.f32 [hbm:s3], $0x80, s19, s10, $0xb8;
	[tilespmem:$0x10400] =	vst v63  }
0x96: {  	_ = 	snop  }
0x97: {  	[tilespmem:s16], [sflag:$0x1] =	stream.indirect.gather.add.f32 [hbm:s3], $0x80, s20, s10, $0xb8;
	[tilespmem:$0x10400] =	vst v63  }
0x98: {  	_ =	swait.ge [sflag:s17], $0x4000  }
0x99: {  	[sflag:s17] =	ssyncset.done $0x0  }
0x9a: {  	[sflag:s17] =	ssyncadd.s32 $0xFFFFC000  }
0x9b: {  	_ =	swait.ge [sflag:s17], $0x4000  }
0x9c: {  	[sflag:s17] =	ssyncset.done $0x0  }
0x9d: {  	[sflag:s17] =	ssyncadd.s32 $0xFFFFC000  }
0x9e: {  	_ =	swait.ge [sflag:s17], $0x4000  }
0x9f: {  	[sflag:s17] =	ssyncset.done $0x0  }
0xa0: {  	[sflag:s17] =	ssyncadd.s32 $0xFFFFC000  }
0xa1: {  	s21 =	sadd.s32 $0x1, s21;
	_ =	swait.ge [sflag:s17], $0x4000  }
0xa2: {  	p0 =	sne.s32 s21, s4;
	[sflag:s17] =	ssyncset.done $0x0  }
.Ltmp1:
0xa3: {  	[sflag:s17] =	ssyncadd.s32 $0xFFFFC000;
	(pc) =	sbr.rel @p0 .LBB2_1-.Ltmp1, $4  }
0xa4: {  	[hbm4b:s22+s2] =	stream.linear.scatter [tilespmem:s11], [sflag:$0x2], $0x10000, $0x38;
	[tilespmem:$0x10400] =	vst v63  }
0xa5: {  	_ =	swait.ge [sflag:s8], $0x10000  }
0xa6: {  	[sflag:s8] =	ssyncset.done $0x0  }
0xa7: {  	[sflag:s8] =	ssyncadd.s32 $0xFFFF0000  }
0xa8: {  	_ =	sfence.sel $0x180000  }
0xa9: {  	[bflag:$0x0] =	sbarrier.arrive $0xFFFF  }
0xaa: {  	p0 =	sne.s32 s1, $0x0;
	_ =	strace $0x90000047  }
0xab: {  	s0 =	sadd.s32 @!p0 $0x100000, s0;
	[bflag:$0x2] =	sbarrier.arrive $0xFFFF  }
0xac: {  	[sflag:s0] =	ssyncadd.tile.s32 @!p0 $0x1;
	_ =	shalt  }
.Lfunc_end2:
_tile_overlayer_lowered:
.L_overlay_start_2:
0xad: {  	(tag) =	ssettag $0x2  }
0xae: {  	s0 =	rddreg [dreg:$0x0];
	s2 =	stileid.u32  }
0xaf: {  	s1 =	rddreg [dreg:$0x1];
	p0 =	sne.s32 s2, $0x0  }
0xb0: {  	s3 =	rddreg [dreg:$0x2];
	[bflag:$0x3] =	sbarrier.arrive $0xFFFF;
	s2 =	simm.s32 @!p0 $0x1C02  }
0xb1: {  	[timem:s3], [sflag:s2] =	dma.local @!p0 [hbm:s0], s1  }
0xb2: {  	s0 =	simm.s32 @!p0 $0x2  }
0xb3: {  	_ =	swait.ge @!p0 [sflag:s0], s1  }
0xb4: {  	s1 =	ssub.s32 @!p0 $0x0, s1;
	[sflag:s0] =	ssyncset.done @!p0 $0x0  }
0xb5: {  	[sflag:s0] =	ssyncadd.s32 @!p0 s1  }
0xb6: {  	[bflag:$0x3] =	sbarrier.arrive $0xFFFF  }
0xb7: {  	_ =	shalt  }

</sc_bundles>
